<compile_context>
chip_gen: v7x
topology: tpu7x:2x2x1
jax: 0.10.2.dev20260603
libtpu: 0.0.44.dev20260713+nightly
codegen_flags: <defaults>
</compile_context>

<pallas_src>
import functools

import jax
import jax.numpy as jnp
from jax import lax
from jax.experimental import pallas as pl
from jax.experimental.pallas import tpu as pltpu
from jax.experimental.pallas import tpu_sc as plsc

N = 10000
C = 8
D = 128
B = N * C * 2
ROWS_PER_CHUNK = 128
NCHUNK = B // ROWS_PER_CHUNK
NW = 32
CPW = 40

_PREP_TN = 2000


def _prep_body(vars_ref, wneg_ref, bneg_ref, lits_ref, neg_ref, idx_ref):
    v = vars_ref[...]
    neg_ref[...] = (
        jnp.dot(v, wneg_ref[...], preferred_element_type=jnp.float32)
        + bneg_ref[...]
    )
    l = lits_ref[...]
    idx_ref[...] = jnp.where(l < 0, N - 1 - l, l - 1)


def _prep(variables, W_neg, b_neg, lits12):
    nb = N // _PREP_TN
    return pl.pallas_call(
        _prep_body,
        grid=(nb,),
        in_specs=[
            pl.BlockSpec((_PREP_TN, D), lambda i: (i, 0)),
            pl.BlockSpec((D, D), lambda i: (0, 0)),
            pl.BlockSpec((1, D), lambda i: (0, 0)),
            pl.BlockSpec((_PREP_TN, 2 * C), lambda i: (i, 0)),
        ],
        out_specs=[
            pl.BlockSpec((_PREP_TN, D), lambda i: (i, 0)),
            pl.BlockSpec((_PREP_TN, 2 * C), lambda i: (i, 0)),
        ],
        out_shape=[
            jax.ShapeDtypeStruct((N, D), jnp.float32),
            jax.ShapeDtypeStruct((N, 2 * C), jnp.int32),
        ],
    )(variables, W_neg, b_neg, lits12)


def _make_gather():
    mesh = plsc.VectorSubcoreMesh(core_axis_name="c", subcore_axis_name="s")

    @functools.partial(
        pl.kernel,
        mesh=mesh,
        out_type=jax.ShapeDtypeStruct((B, D), jnp.float32),
        scratch_types=[
            pltpu.VMEM((CPW, ROWS_PER_CHUNK), jnp.int32),
            pltpu.VMEM((ROWS_PER_CHUNK, D), jnp.float32),
            pltpu.SemaphoreType.DMA,
        ],
    )
    def gather_k(table_hbm, idx_hbm, out_hbm, idx_v, rows_v, sem):
        wid = lax.axis_index("s") * 2 + lax.axis_index("c")
        base = wid * CPW
        pltpu.sync_copy(idx_hbm.at[pl.ds(base, CPW)], idx_v)

        def body(k, carry):
            c = base + k

            @pl.when(c < NCHUNK)
            def _do():
                pltpu.async_copy(table_hbm.at[idx_v.at[k]], rows_v, sem).wait()
                pltpu.sync_copy(
                    rows_v, out_hbm.at[pl.ds(c * ROWS_PER_CHUNK, ROWS_PER_CHUNK)]
                )

            return carry

        lax.fori_loop(0, CPW, body, 0)

    return gather_k


_COMB_TN = 400


def _comb_body(vars_ref, g_ref, w1v0, w1v12, w2v0, w2v12, b1v, b2v,
               w1c, w2c, b1c, b2c, out_ref):
    v = vars_ref[...]
    p10 = jnp.dot(v, w1v0[...], preferred_element_type=jnp.float32) + b1v[...]
    p20 = jnp.dot(v, w2v0[...], preferred_element_type=jnp.float32) + b2v[...]
    g = g_ref[...]
    p112 = jnp.dot(g, w1v12[...], preferred_element_type=jnp.float32)
    p212 = jnp.dot(g, w2v12[...], preferred_element_type=jnp.float32)
    pre1 = p112.reshape(_COMB_TN, C, D) + p10[:, None, :]
    pre2 = p212.reshape(_COMB_TN, C, D) + p20[:, None, :]
    cl = jax.nn.sigmoid(pre1) + pre2
    norm = jnp.sqrt(jnp.sum(cl * cl, axis=-1, keepdims=True))
    cl = cl / jnp.maximum(norm, 1e-12)
    acc1 = jnp.broadcast_to(b1c[...], (_COMB_TN, D))
    acc2 = jnp.broadcast_to(b2c[...], (_COMB_TN, D))
    for c in range(C):
        cc = cl[:, c, :]
        acc1 = acc1 + jnp.dot(cc, w1c[c], preferred_element_type=jnp.float32)
        acc2 = acc2 + jnp.dot(cc, w2c[c], preferred_element_type=jnp.float32)
    o = jax.nn.sigmoid(acc1) + acc2
    norm2 = jnp.sqrt(jnp.sum(o * o, axis=-1, keepdims=True))
    out_ref[...] = o / jnp.maximum(norm2, 1e-12)


def _combine(variables, Gv, W1v0, W1v12, W2v0, W2v12, b1v, b2v,
             W1c_r, W2c_r, b1c, b2c):
    nb = N // _COMB_TN
    return pl.pallas_call(
        _comb_body,
        grid=(nb,),
        in_specs=[
            pl.BlockSpec((_COMB_TN, D), lambda i: (i, 0)),
            pl.BlockSpec((_COMB_TN * C, 2 * D), lambda i: (i, 0)),
            pl.BlockSpec((D, D), lambda i: (0, 0)),
            pl.BlockSpec((2 * D, D), lambda i: (0, 0)),
            pl.BlockSpec((D, D), lambda i: (0, 0)),
            pl.BlockSpec((2 * D, D), lambda i: (0, 0)),
            pl.BlockSpec((1, D), lambda i: (0, 0)),
            pl.BlockSpec((1, D), lambda i: (0, 0)),
            pl.BlockSpec((C, D, D), lambda i: (0, 0, 0)),
            pl.BlockSpec((C, D, D), lambda i: (0, 0, 0)),
            pl.BlockSpec((1, D), lambda i: (0, 0)),
            pl.BlockSpec((1, D), lambda i: (0, 0)),
        ],
        out_specs=pl.BlockSpec((_COMB_TN, D), lambda i: (i, 0)),
        out_shape=jax.ShapeDtypeStruct((N, D), jnp.float32),
    )(variables, Gv, W1v0, W1v12, W2v0, W2v12, b1v, b2v,
      W1c_r, W2c_r, b1c, b2c)


def kernel(variables, lits, W_neg, b_neg, W1v, b1v, W2v, b2v,
           W1c, b1c, W2c, b2c):
    lits12 = lits[:, :, 1:].astype(jnp.int32).reshape(N, 2 * C)
    negtable, idx = _prep(variables, W_neg, b_neg.reshape(1, D), lits12)
    table = jnp.concatenate([variables, negtable], axis=0)
    idx_pad = jnp.pad(idx.reshape(-1), (0, NW * CPW * ROWS_PER_CHUNK - B))
    G = _make_gather()(table, idx_pad.reshape(NW * CPW, ROWS_PER_CHUNK))
    Gv = G.reshape(N * C, 2 * D)
    return _combine(
        variables, Gv,
        W1v[:D], W1v[D:], W2v[:D], W2v[D:],
        b1v.reshape(1, D), b2v.reshape(1, D),
        W1c.reshape(C, D, D), W2c.reshape(C, D, D),
        b1c.reshape(1, D), b2c.reshape(1, D),
    )

# --- scband reference (transcript-rebuilt; emitter-appended) ---
"""Pipeline reference for scband-inner-iteration-60936995996046 (READ-ONLY COPY).

The authoritative reference and input builder live on the scoring server;
editing this copy changes nothing except your own understanding.
"""

import jax, jax.numpy as jnp
import numpy as np

N = 10000  # number of variables
C = 8      # max_clauses
V = 3      # max_variables per clause
D = 128    # embedding_dim


def _l2norm(x):
    n = jnp.linalg.norm(x, axis=-1, keepdims=True)
    return x / jnp.maximum(n, 1e-12)


def setup_inputs(seed: int = 0) -> dict:
    key = jax.random.key(seed)
    ks = jax.random.split(key, 8)
    variables = jax.random.normal(ks[0], (N, D), dtype=jnp.float32)
    # signed literals in [-N, N] \ {0}; |lit|-1 is the variable index.
    mags = jax.random.randint(ks[1], (N, C, V), 1, N + 1)
    signs = jnp.where(jax.random.uniform(ks[2], (N, C, V)) < 0.5, -1, 1)
    lits = (mags * signs).astype(jnp.int64)
    # each clause of variable i must contain variable i (ind_in_clause); place it first, positive.
    lits = lits.at[:, :, 0].set(jnp.broadcast_to(jnp.arange(1, N + 1, dtype=jnp.int64)[:, None], (N, C)))

    def lin(k, fin, fout):
        lim = 1.0 / np.sqrt(fin)
        kw, kb = jax.random.split(k)
        W = jax.random.uniform(kw, (fin, fout), minval=-lim, maxval=lim, dtype=jnp.float32)
        b = jax.random.uniform(kb, (fout,), minval=-lim, maxval=lim, dtype=jnp.float32)
        return W, b

    W_neg, b_neg = lin(ks[3], D, D)          # negation Linear
    W1v, b1v = lin(ks[4], V * D, D)          # variable_combiner.layer1
    W2v, b2v = lin(ks[5], V * D, D)          # variable_combiner.layer2
    W1c, b1c = lin(ks[6], C * D, D)          # clause_combiner.layer1
    W2c, b2c = lin(ks[7], C * D, D)          # clause_combiner.layer2
    return dict(variables=variables, lits=lits,
                W_neg=W_neg, b_neg=b_neg,
                W1v=W1v, b1v=b1v, W2v=W2v, b2v=b2v,
                W1c=W1c, b1c=b1c, W2c=W2c, b2c=b2c)


def reference(variables, lits, W_neg, b_neg, W1v, b1v, W2v, b2v, W1c, b1c, W2c, b2c):
    # _forward_clause, vectorized over all (variable, clause) pairs.
    idx = jnp.abs(lits) - 1                       # [N, C, V] variable indices
    v = jnp.take(variables, idx, axis=0)          # gather: [N, C, V, D]
    vneg = v @ W_neg + b_neg                      # negation(v) for negative literals
    v = jnp.where((lits < 0)[..., None], vneg, v)
    # prepare_variables with permute=False, split=False: current variable (slot 0) first,
    # then the rest in order -> plain concat along feature dim.
    inp = v.reshape(N, C, V * D)
    # ResidualCombine: normalize(sigmoid(layer1(x)) + layer2(x))
    clause = _l2norm(jax.nn.sigmoid(inp @ W1v + b1v) + (inp @ W2v + b2v))   # [N, C, D]
    # prepare_clauses with permute=False: concat clause embeddings along feature dim.
    cinp = clause.reshape(N, C * D)
    out = _l2norm(jax.nn.sigmoid(cinp @ W1c + b1c) + (cinp @ W2c + b2c))    # [N, D]
    return out

if __name__ == "__main__":
    import jax
    _d = setup_inputs()
    print(jax.jit(kernel)(*tuple(_d.values())))

</pallas_src>

<mosaic_0001>
#map = affine_map<(d0, d1) -> (0, 0)>
module attributes {stable_mosaic.version = 14 : i64} {
  func.func @gather_k(%arg0: i32, %arg1: i32, %arg2: memref<20000x128xf32, #tpu.memory_space<hbm>>, %arg3: memref<1280x128xi32, #tpu.memory_space<hbm>>, %arg4: memref<160000x128xf32, #tpu.memory_space<hbm>>, %arg5: memref<40x128xi32, #tpu.memory_space<vmem>>, %arg6: memref<128x128xf32, #tpu.memory_space<vmem>>, %arg7: memref<!tpu.dma_semaphore, #tpu.memory_space<semaphore_mem>>) attributes {dimension_semantics = [#tpu.dimension_semantics<core_parallel>, #tpu.dimension_semantics<subcore_parallel>], iteration_bounds = array<i64: 2, 16>, scalar_prefetch = 0 : i64, scratch_operands = 3 : i64, tpu.core_type = #tpu.core_type<sc_vector_subcore>, window_params = [{transform_indices = #map}, {transform_indices = #map}, {transform_indices = #map}]} {
    %mul3A = arith.constant 2 : i32
    %mul3A_0 = arith.muli %arg1, %mul3A : i32
    %add3A = arith.addi %mul3A_0, %arg0 : i32
    %mul3A_1 = arith.constant 40 : i32
    %mul3A_2 = arith.muli %add3A, %mul3A_1 : i32
    "tpu.region"() ({
      %run_scoped3A = tpu.sem_alloc : memref<!tpu.dma_semaphore, #tpu.memory_space<semaphore_mem>>
      %dma_start3A = arith.constant 0 : i32
      %dma_start3A_8 = tpu.memref_slice %arg3[%mul3A_2, %dma_start3A] : memref<1280x128xi32, #tpu.memory_space<hbm>> -> memref<40x128xi32, #tpu.memory_space<hbm>>
      %dma_start3A_9 = arith.constant 0 : i32
      %dma_start3A_10 = tpu.memref_slice %arg3[%mul3A_2, %dma_start3A_9] : memref<1280x128xi32, #tpu.memory_space<hbm>> -> memref<40x128xi32, #tpu.memory_space<hbm>>
      tpu.enqueue_dma source(%dma_start3A_10 : memref<40x128xi32, #tpu.memory_space<hbm>>) target(%arg5 : memref<40x128xi32, #tpu.memory_space<vmem>>) target_semaphore(%run_scoped3A : memref<!tpu.dma_semaphore, #tpu.memory_space<semaphore_mem>>)
      %dma_wait3A = arith.constant 0 : i32
      %dma_wait3A_11 = tpu.memref_slice %arg3[%mul3A_2, %dma_wait3A] : memref<1280x128xi32, #tpu.memory_space<hbm>> -> memref<40x128xi32, #tpu.memory_space<hbm>>
      %dma_wait3A_12 = arith.constant 0 : i32
      %dma_wait3A_13 = tpu.memref_slice %arg3[%mul3A_2, %dma_wait3A_12] : memref<1280x128xi32, #tpu.memory_space<hbm>> -> memref<40x128xi32, #tpu.memory_space<hbm>>
      tpu.wait_dma2 semaphore(%run_scoped3A : memref<!tpu.dma_semaphore, #tpu.memory_space<semaphore_mem>>) src(%dma_wait3A_13 : memref<40x128xi32, #tpu.memory_space<hbm>>) dst(%arg5 : memref<40x128xi32, #tpu.memory_space<vmem>>)
      tpu.yield
    }) : () -> ()
    %scan3A = arith.constant 0 : i32
    %scan3A_3 = arith.constant 0 : i32
    %scan3A_4 = arith.constant 40 : i32
    %scan3A_5 = arith.addi %scan3A_3, %scan3A_4 : i32
    %scan3A_6 = arith.constant 1 : i32
    scf.for %scan3A_8 = %scan3A_3 to %scan3A_5 step %scan3A_6  : i32 {
      %add3A_9 = arith.addi %mul3A_2, %scan3A_8 : i32
      %lt3A = arith.constant 1250 : i32
      %lt3A_10 = arith.cmpi slt, %add3A_9, %lt3A : i32
      %convert_element_type3A = arith.extui %lt3A_10 : i1 to i32
      %cond3A = arith.constant 0 : i32
      %cond3A_11 = arith.cmpi ne, %convert_element_type3A, %cond3A : i32
      scf.if %cond3A_11 {
        %dma_start3A = arith.constant 0 : i32
        %dma_start3A_12 = tpu.memref_slice %arg5[%scan3A_8, %dma_start3A] : memref<40x128xi32, #tpu.memory_space<vmem>> -> memref<1x128xi32, #tpu.memory_space<vmem>>
        %dma_start3A_13 = tpu.memref_squeeze %dma_start3A_12 : memref<1x128xi32, #tpu.memory_space<vmem>> -> memref<128xi32, #tpu.memory_space<vmem>>
        %dma_start3A_14 = arith.constant 0 : i32
        %dma_start3A_15 = arith.constant 0 : i32
        %dma_start3A_16 = tpu.memref_slice %arg2[%dma_start3A_14, %dma_start3A_15] : memref<20000x128xf32, #tpu.memory_space<hbm>> -> memref<20000x128xf32, #tpu.memory_space<hbm>>
        tpu.enqueue_indirect_dma source(%dma_start3A_16 : memref<20000x128xf32, #tpu.memory_space<hbm>>) target(%arg6 : memref<128x128xf32, #tpu.memory_space<vmem>>) offsets(%dma_start3A_13 : memref<128xi32, #tpu.memory_space<vmem>>) semaphore(%arg7 : memref<!tpu.dma_semaphore, #tpu.memory_space<semaphore_mem>>)
        %dma_wait3A = arith.constant 0 : i32
        %dma_wait3A_17 = tpu.memref_slice %arg5[%scan3A_8, %dma_wait3A] : memref<40x128xi32, #tpu.memory_space<vmem>> -> memref<1x128xi32, #tpu.memory_space<vmem>>
        %dma_wait3A_18 = tpu.memref_squeeze %dma_wait3A_17 : memref<1x128xi32, #tpu.memory_space<vmem>> -> memref<128xi32, #tpu.memory_space<vmem>>
        %dma_wait3A_19 = arith.constant 0 : i32
        %dma_wait3A_20 = arith.constant 0 : i32
        %dma_wait3A_21 = tpu.memref_slice %arg2[%dma_wait3A_19, %dma_wait3A_20] : memref<20000x128xf32, #tpu.memory_space<hbm>> -> memref<20000x128xf32, #tpu.memory_space<hbm>>
        tpu.wait_indirect_dma semaphore(%arg7 : memref<!tpu.dma_semaphore, #tpu.memory_space<semaphore_mem>>) src(%dma_wait3A_21 : memref<20000x128xf32, #tpu.memory_space<hbm>>) dst(%arg6 : memref<128x128xf32, #tpu.memory_space<vmem>>)
        %mul3A_22 = arith.constant 128 : i32
        %mul3A_23 = arith.muli %add3A_9, %mul3A_22 : i32
        "tpu.region"() ({
          %run_scoped3A = tpu.sem_alloc : memref<!tpu.dma_semaphore, #tpu.memory_space<semaphore_mem>>
          %dma_start3A_24 = arith.constant 0 : i32
          %dma_start3A_25 = tpu.memref_slice %arg4[%mul3A_23, %dma_start3A_24] : memref<160000x128xf32, #tpu.memory_space<hbm>> -> memref<128x128xf32, #tpu.memory_space<hbm>>
          %dma_start3A_26 = arith.constant 0 : i32
          %dma_start3A_27 = tpu.memref_slice %arg4[%mul3A_23, %dma_start3A_26] : memref<160000x128xf32, #tpu.memory_space<hbm>> -> memref<128x128xf32, #tpu.memory_space<hbm>>
          tpu.enqueue_dma source(%arg6 : memref<128x128xf32, #tpu.memory_space<vmem>>) target(%dma_start3A_27 : memref<128x128xf32, #tpu.memory_space<hbm>>) target_semaphore(%run_scoped3A : memref<!tpu.dma_semaphore, #tpu.memory_space<semaphore_mem>>)
          %dma_wait3A_28 = arith.constant 0 : i32
          %dma_wait3A_29 = tpu.memref_slice %arg4[%mul3A_23, %dma_wait3A_28] : memref<160000x128xf32, #tpu.memory_space<hbm>> -> memref<128x128xf32, #tpu.memory_space<hbm>>
          %dma_wait3A_30 = arith.constant 0 : i32
          %dma_wait3A_31 = tpu.memref_slice %arg4[%mul3A_23, %dma_wait3A_30] : memref<160000x128xf32, #tpu.memory_space<hbm>> -> memref<128x128xf32, #tpu.memory_space<hbm>>
          tpu.wait_dma2 semaphore(%run_scoped3A : memref<!tpu.dma_semaphore, #tpu.memory_space<semaphore_mem>>) src(%arg6 : memref<128x128xf32, #tpu.memory_space<vmem>>) dst(%dma_wait3A_31 : memref<128x128xf32, #tpu.memory_space<hbm>>)
          tpu.yield
        }) : () -> ()
      } else {
      }
    }
    %scan3A_7 = arith.constant 40 : i32
    return
  }
}

module attributes {stable_mosaic.version = 14 : i64} {
  func.func @_prep_body(%arg0: i32, %arg1: memref<2000x128xf32, #tpu.memory_space<vmem>>, %arg2: memref<128x128xf32, #tpu.memory_space<vmem>>, %arg3: memref<1x128xf32, #tpu.memory_space<vmem>>, %arg4: memref<2000x16xi32, #tpu.memory_space<vmem>>, %arg5: memref<2000x128xf32, #tpu.memory_space<vmem>>, %arg6: memref<2000x16xi32, #tpu.memory_space<vmem>>) attributes {dimension_semantics = [#tpu.dimension_semantics<arbitrary>], iteration_bounds = array<i64: 5>, scalar_prefetch = 0 : i64, scratch_operands = 0 : i64, tpu.core_type = #tpu.core_type<tc>, window_params = [{transform_indices = @transform_0, window_bounds = array<i64: 2000, 128>}, {pipeline_mode = #tpu.pipeline_mode<synchronous>, transform_indices = @transform_1, window_bounds = array<i64: 128, 128>}, {pipeline_mode = #tpu.pipeline_mode<synchronous>, transform_indices = @transform_2, window_bounds = array<i64: 1, 128>}, {transform_indices = @transform_3, window_bounds = array<i64: 2000, 16>}, {transform_indices = @transform_4, window_bounds = array<i64: 2000, 128>}, {transform_indices = @transform_5, window_bounds = array<i64: 2000, 16>}]} {
    %get3A = arith.constant 0 : index
    %get3A_0 = arith.constant 0 : index
    %get3A_1 = vector.load %arg1[%get3A, %get3A_0] : memref<2000x128xf32, #tpu.memory_space<vmem>>, vector<2000x128xf32>
    %get3A_2 = arith.constant 0 : index
    %get3A_3 = arith.constant 0 : index
    %get3A_4 = vector.load %arg2[%get3A_2, %get3A_3] : memref<128x128xf32, #tpu.memory_space<vmem>>, vector<128x128xf32>
    %dot_general3A = arith.constant dense<0.000000e+00> : vector<2000x128xf32>
    %dot_general3A_5 = tpu.matmul %get3A_1, %get3A_4, %dot_general3A {dimension_numbers = #tpu.dot_dimension_numbers<[1], [0], [0], [1], [0, 0, 1, 1], [], []>, transpose_lhs_hint = false} : vector<2000x128xf32>, vector<128x128xf32>, vector<2000x128xf32> -> vector<2000x128xf32>
    %get3A_6 = arith.constant 0 : index
    %get3A_7 = arith.constant 0 : index
    %get3A_8 = vector.load %arg3[%get3A_6, %get3A_7] : memref<1x128xf32, #tpu.memory_space<vmem>>, vector<1x128xf32>
    %add3A = vector.broadcast %get3A_8 : vector<1x128xf32> to vector<2000x128xf32>
    %add3A_9 = arith.addf %dot_general3A_5, %add3A : vector<2000x128xf32>
    %swap3A = arith.constant 0 : index
    %swap3A_10 = arith.constant 0 : index
    %swap3A_11 = vector.load %arg5[%swap3A, %swap3A_10] : memref<2000x128xf32, #tpu.memory_space<vmem>>, vector<2000x128xf32>
    tpu.vector_store %arg5[%swap3A, %swap3A_10], %add3A_9 {strides = array<i32>} : memref<2000x128xf32, #tpu.memory_space<vmem>>, vector<2000x128xf32>,
    %get3A_12 = arith.constant 0 : index
    %get3A_13 = arith.constant 0 : index
    %get3A_14 = vector.load %arg4[%get3A_12, %get3A_13] : memref<2000x16xi32, #tpu.memory_space<vmem>>, vector<2000x16xi32>
    %lt3A = arith.constant 0 : i32
    %lt3A_15 = vector.broadcast %lt3A : i32 to vector<2000x16xi32>
    %lt3A_16 = arith.cmpi slt, %get3A_14, %lt3A_15 : vector<2000x16xi32>
    %sub3A = arith.constant 9999 : i32
    %sub3A_17 = vector.broadcast %sub3A : i32 to vector<2000x16xi32>
    %sub3A_18 = arith.subi %sub3A_17, %get3A_14 : vector<2000x16xi32>
    %sub3A_19 = arith.constant 1 : i32
    %sub3A_20 = vector.broadcast %sub3A_19 : i32 to vector<2000x16xi32>
    %sub3A_21 = arith.subi %get3A_14, %sub3A_20 : vector<2000x16xi32>
    %select_n3A = arith.select %lt3A_16, %sub3A_18, %sub3A_21 : vector<2000x16xi1>, vector<2000x16xi32>
    %swap3A_22 = arith.constant 0 : index
    %swap3A_23 = arith.constant 0 : index
    %swap3A_24 = vector.load %arg6[%swap3A_22, %swap3A_23] : memref<2000x16xi32, #tpu.memory_space<vmem>>, vector<2000x16xi32>
    tpu.vector_store %arg6[%swap3A_22, %swap3A_23], %select_n3A {strides = array<i32>} : memref<2000x16xi32, #tpu.memory_space<vmem>>, vector<2000x16xi32>,
    return
  }
  func.func @transform_0(%arg0: i32) -> (i32, i32) {
    %c0_i32 = arith.constant 0 : i32
    %c0_i32_0 = arith.constant 0 : i32
    return %arg0, %c0_i32 : i32, i32
  }
  func.func @transform_1(%arg0: i32) -> (i32, i32) {
    %c0_i32 = arith.constant 0 : i32
    %c0_i32_0 = arith.constant 0 : i32
    %c0_i32_1 = arith.constant 0 : i32
    return %c0_i32, %c0_i32_0 : i32, i32
  }
  func.func @transform_2(%arg0: i32) -> (i32, i32) {
    %c0_i32 = arith.constant 0 : i32
    %c0_i32_0 = arith.constant 0 : i32
    %c0_i32_1 = arith.constant 0 : i32
    return %c0_i32, %c0_i32_0 : i32, i32
  }
  func.func @transform_3(%arg0: i32) -> (i32, i32) {
    %c0_i32 = arith.constant 0 : i32
    %c0_i32_0 = arith.constant 0 : i32
    return %arg0, %c0_i32 : i32, i32
  }
  func.func @transform_4(%arg0: i32) -> (i32, i32) {
    %c0_i32 = arith.constant 0 : i32
    %c0_i32_0 = arith.constant 0 : i32
    return %arg0, %c0_i32 : i32, i32
  }
  func.func @transform_5(%arg0: i32) -> (i32, i32) {
    %c0_i32 = arith.constant 0 : i32
    %c0_i32_0 = arith.constant 0 : i32
    return %arg0, %c0_i32 : i32, i32
  }
}

module attributes {stable_mosaic.version = 14 : i64} {
  func.func @_comb_body(%arg0: i32, %arg1: memref<400x128xf32, #tpu.memory_space<vmem>>, %arg2: memref<3200x256xf32, #tpu.memory_space<vmem>>, %arg3: memref<128x128xf32, #tpu.memory_space<vmem>>, %arg4: memref<256x128xf32, #tpu.memory_space<vmem>>, %arg5: memref<128x128xf32, #tpu.memory_space<vmem>>, %arg6: memref<256x128xf32, #tpu.memory_space<vmem>>, %arg7: memref<1x128xf32, #tpu.memory_space<vmem>>, %arg8: memref<1x128xf32, #tpu.memory_space<vmem>>, %arg9: memref<8x128x128xf32, #tpu.memory_space<vmem>>, %arg10: memref<8x128x128xf32, #tpu.memory_space<vmem>>, %arg11: memref<1x128xf32, #tpu.memory_space<vmem>>, %arg12: memref<1x128xf32, #tpu.memory_space<vmem>>, %arg13: memref<400x128xf32, #tpu.memory_space<vmem>>) attributes {dimension_semantics = [#tpu.dimension_semantics<arbitrary>], iteration_bounds = array<i64: 25>, scalar_prefetch = 0 : i64, scratch_operands = 0 : i64, tpu.core_type = #tpu.core_type<tc>, window_params = [{transform_indices = @transform_0, window_bounds = array<i64: 400, 128>}, {transform_indices = @transform_1, window_bounds = array<i64: 3200, 256>}, {pipeline_mode = #tpu.pipeline_mode<synchronous>, transform_indices = @transform_2, window_bounds = array<i64: 128, 128>}, {pipeline_mode = #tpu.pipeline_mode<synchronous>, transform_indices = @transform_3, window_bounds = array<i64: 256, 128>}, {pipeline_mode = #tpu.pipeline_mode<synchronous>, transform_indices = @transform_4, window_bounds = array<i64: 128, 128>}, {pipeline_mode = #tpu.pipeline_mode<synchronous>, transform_indices = @transform_5, window_bounds = array<i64: 256, 128>}, {pipeline_mode = #tpu.pipeline_mode<synchronous>, transform_indices = @transform_6, window_bounds = array<i64: 1, 128>}, {pipeline_mode = #tpu.pipeline_mode<synchronous>, transform_indices = @transform_7, window_bounds = array<i64: 1, 128>}, {pipeline_mode = #tpu.pipeline_mode<synchronous>, transform_indices = @transform_8, window_bounds = array<i64: 8, 128, 128>}, {pipeline_mode = #tpu.pipeline_mode<synchronous>, transform_indices = @transform_9, window_bounds = array<i64: 8, 128, 128>}, {pipeline_mode = #tpu.pipeline_mode<synchronous>, transform_indices = @transform_10, window_bounds = array<i64: 1, 128>}, {pipeline_mode = #tpu.pipeline_mode<synchronous>, transform_indices = @transform_11, window_bounds = array<i64: 1, 128>}, {transform_indices = @transform_12, window_bounds = array<i64: 400, 128>}]} {
    %get3A = arith.constant 0 : index
    %get3A_0 = arith.constant 0 : index
    %get3A_1 = vector.load %arg1[%get3A, %get3A_0] : memref<400x128xf32, #tpu.memory_space<vmem>>, vector<400x128xf32>
    %get3A_2 = arith.constant 0 : index
    %get3A_3 = arith.constant 0 : index
    %get3A_4 = vector.load %arg3[%get3A_2, %get3A_3] : memref<128x128xf32, #tpu.memory_space<vmem>>, vector<128x128xf32>
    %dot_general3A = arith.constant dense<0.000000e+00> : vector<400x128xf32>
    %dot_general3A_5 = tpu.matmul %get3A_1, %get3A_4, %dot_general3A {dimension_numbers = #tpu.dot_dimension_numbers<[1], [0], [0], [1], [0, 0, 1, 1], [], []>, transpose_lhs_hint = false} : vector<400x128xf32>, vector<128x128xf32>, vector<400x128xf32> -> vector<400x128xf32>
    %get3A_6 = arith.constant 0 : index
    %get3A_7 = arith.constant 0 : index
    %get3A_8 = vector.load %arg7[%get3A_6, %get3A_7] : memref<1x128xf32, #tpu.memory_space<vmem>>, vector<1x128xf32>
    %add3A = vector.broadcast %get3A_8 : vector<1x128xf32> to vector<400x128xf32>
    %add3A_9 = arith.addf %dot_general3A_5, %add3A : vector<400x128xf32>
    %get3A_10 = arith.constant 0 : index
    %get3A_11 = arith.constant 0 : index
    %get3A_12 = vector.load %arg5[%get3A_10, %get3A_11] : memref<128x128xf32, #tpu.memory_space<vmem>>, vector<128x128xf32>
    %dot_general3A_13 = arith.constant dense<0.000000e+00> : vector<400x128xf32>
    %dot_general3A_14 = tpu.matmul %get3A_1, %get3A_12, %dot_general3A_13 {dimension_numbers = #tpu.dot_dimension_numbers<[1], [0], [0], [1], [0, 0, 1, 1], [], []>, transpose_lhs_hint = false} : vector<400x128xf32>, vector<128x128xf32>, vector<400x128xf32> -> vector<400x128xf32>
    %get3A_15 = arith.constant 0 : index
    %get3A_16 = arith.constant 0 : index
    %get3A_17 = vector.load %arg8[%get3A_15, %get3A_16] : memref<1x128xf32, #tpu.memory_space<vmem>>, vector<1x128xf32>
    %add3A_18 = vector.broadcast %get3A_17 : vector<1x128xf32> to vector<400x128xf32>
    %add3A_19 = arith.addf %dot_general3A_14, %add3A_18 : vector<400x128xf32>
    %get3A_20 = arith.constant 0 : index
    %get3A_21 = arith.constant 0 : index
    %get3A_22 = vector.load %arg2[%get3A_20, %get3A_21] : memref<3200x256xf32, #tpu.memory_space<vmem>>, vector<3200x256xf32>
    %get3A_23 = arith.constant 0 : index
    %get3A_24 = arith.constant 0 : index
    %get3A_25 = vector.load %arg4[%get3A_23, %get3A_24] : memref<256x128xf32, #tpu.memory_space<vmem>>, vector<256x128xf32>
    %dot_general3A_26 = arith.constant dense<0.000000e+00> : vector<3200x128xf32>
    %dot_general3A_27 = tpu.matmul %get3A_22, %get3A_25, %dot_general3A_26 {dimension_numbers = #tpu.dot_dimension_numbers<[1], [0], [0], [1], [0, 0, 1, 1], [], []>, transpose_lhs_hint = false} : vector<3200x256xf32>, vector<256x128xf32>, vector<3200x128xf32> -> vector<3200x128xf32>
    %get3A_28 = arith.constant 0 : index
    %get3A_29 = arith.constant 0 : index
    %get3A_30 = vector.load %arg6[%get3A_28, %get3A_29] : memref<256x128xf32, #tpu.memory_space<vmem>>, vector<256x128xf32>
    %dot_general3A_31 = arith.constant dense<0.000000e+00> : vector<3200x128xf32>
    %dot_general3A_32 = tpu.matmul %get3A_22, %get3A_30, %dot_general3A_31 {dimension_numbers = #tpu.dot_dimension_numbers<[1], [0], [0], [1], [0, 0, 1, 1], [], []>, transpose_lhs_hint = false} : vector<3200x256xf32>, vector<256x128xf32>, vector<3200x128xf32> -> vector<3200x128xf32>
    %reshape3A = vector.shape_cast %dot_general3A_27 : vector<3200x128xf32> to vector<400x8x128xf32>
    %broadcast_in_dim3A = vector.shape_cast %add3A_9 : vector<400x128xf32> to vector<400x1x128xf32>
    %add3A_33 = vector.broadcast %broadcast_in_dim3A : vector<400x1x128xf32> to vector<400x8x128xf32>
    %add3A_34 = arith.addf %reshape3A, %add3A_33 : vector<400x8x128xf32>
    %reshape3A_35 = vector.shape_cast %dot_general3A_32 : vector<3200x128xf32> to vector<400x8x128xf32>
    %broadcast_in_dim3A_36 = vector.shape_cast %add3A_19 : vector<400x128xf32> to vector<400x1x128xf32>
    %add3A_37 = vector.broadcast %broadcast_in_dim3A_36 : vector<400x1x128xf32> to vector<400x8x128xf32>
    %add3A_38 = arith.addf %reshape3A_35, %add3A_37 : vector<400x8x128xf32>
    %logistic3A = arith.negf %add3A_34 : vector<400x8x128xf32>
    %logistic3A_39 = math.exp %logistic3A : vector<400x8x128xf32>
    %logistic3A_40 = arith.constant 1.000000e+00 : f32
    %logistic3A_41 = vector.broadcast %logistic3A_40 : f32 to vector<400x8x128xf32>
    %logistic3A_42 = arith.addf %logistic3A_41, %logistic3A_39 : vector<400x8x128xf32>
    %logistic3A_43 = arith.divf %logistic3A_41, %logistic3A_42 : vector<400x8x128xf32>
    %add3A_44 = arith.addf %logistic3A_43, %add3A_38 : vector<400x8x128xf32>
    %mul3A = arith.mulf %add3A_44, %add3A_44 : vector<400x8x128xf32>
    %reduce_sum3A = arith.constant dense<0.000000e+00> : vector<400x8xf32>
    %reduce_sum3A_45 = vector.multi_reduction <add>, %mul3A, %reduce_sum3A [2] : vector<400x8x128xf32> to vector<400x8xf32>
    %broadcast_in_dim3A_46 = vector.shape_cast %reduce_sum3A_45 : vector<400x8xf32> to vector<400x8x1xf32>
    %sqrt3A = math.sqrt %broadcast_in_dim3A_46 : vector<400x8x1xf32>
    %max3A = arith.constant 9.99999996E-13 : f32
    %max3A_47 = vector.broadcast %max3A : f32 to vector<400x8x1xf32>
    %max3A_48 = arith.maximumf %sqrt3A, %max3A_47 : vector<400x8x1xf32>
    %div3A = vector.broadcast %max3A_48 : vector<400x8x1xf32> to vector<400x8x128xf32>
    %div3A_49 = arith.divf %add3A_44, %div3A : vector<400x8x128xf32>
    %get3A_50 = arith.constant 0 : index
    %get3A_51 = arith.constant 0 : index
    %get3A_52 = vector.load %arg11[%get3A_50, %get3A_51] : memref<1x128xf32, #tpu.memory_space<vmem>>, vector<1x128xf32>
    %broadcast_in_dim3A_53 = vector.shape_cast %get3A_52 : vector<1x128xf32> to vector<1x128xf32>
    %broadcast_in_dim3A_54 = vector.broadcast %broadcast_in_dim3A_53 : vector<1x128xf32> to vector<400x128xf32>
    %get3A_55 = arith.constant 0 : index
    %get3A_56 = arith.constant 0 : index
    %get3A_57 = vector.load %arg12[%get3A_55, %get3A_56] : memref<1x128xf32, #tpu.memory_space<vmem>>, vector<1x128xf32>
    %broadcast_in_dim3A_58 = vector.shape_cast %get3A_57 : vector<1x128xf32> to vector<1x128xf32>
    %broadcast_in_dim3A_59 = vector.broadcast %broadcast_in_dim3A_58 : vector<1x128xf32> to vector<400x128xf32>
    %slice3A = vector.extract_strided_slice %div3A_49 {offsets = [0, 0, 0], sizes = [400, 1, 128], strides = [1, 1, 1]} : vector<400x8x128xf32> to vector<400x1x128xf32>
    %squeeze3A = vector.shape_cast %slice3A : vector<400x1x128xf32> to vector<400x128xf32>
    %get3A_60 = arith.constant 0 : index
    %get3A_61 = arith.constant 0 : index
    %get3A_62 = arith.constant 0 : index
    %get3A_63 = vector.load %arg9[%get3A_60, %get3A_61, %get3A_62] : memref<8x128x128xf32, #tpu.memory_space<vmem>>, vector<1x128x128xf32>
    %get3A_64 = vector.shape_cast %get3A_63 : vector<1x128x128xf32> to vector<128x128xf32>
    %dot_general3A_65 = arith.constant dense<0.000000e+00> : vector<400x128xf32>
    %dot_general3A_66 = tpu.matmul %squeeze3A, %get3A_64, %dot_general3A_65 {dimension_numbers = #tpu.dot_dimension_numbers<[1], [0], [0], [1], [0, 0, 1, 1], [], []>, transpose_lhs_hint = false} : vector<400x128xf32>, vector<128x128xf32>, vector<400x128xf32> -> vector<400x128xf32>
    %add3A_67 = arith.addf %broadcast_in_dim3A_54, %dot_general3A_66 : vector<400x128xf32>
    %get3A_68 = arith.constant 0 : index
    %get3A_69 = arith.constant 0 : index
    %get3A_70 = arith.constant 0 : index
    %get3A_71 = vector.load %arg10[%get3A_68, %get3A_69, %get3A_70] : memref<8x128x128xf32, #tpu.memory_space<vmem>>, vector<1x128x128xf32>
    %get3A_72 = vector.shape_cast %get3A_71 : vector<1x128x128xf32> to vector<128x128xf32>
    %dot_general3A_73 = arith.constant dense<0.000000e+00> : vector<400x128xf32>
    %dot_general3A_74 = tpu.matmul %squeeze3A, %get3A_72, %dot_general3A_73 {dimension_numbers = #tpu.dot_dimension_numbers<[1], [0], [0], [1], [0, 0, 1, 1], [], []>, transpose_lhs_hint = false} : vector<400x128xf32>, vector<128x128xf32>, vector<400x128xf32> -> vector<400x128xf32>
    %add3A_75 = arith.addf %broadcast_in_dim3A_59, %dot_general3A_74 : vector<400x128xf32>
    %slice3A_76 = vector.extract_strided_slice %div3A_49 {offsets = [0, 1, 0], sizes = [400, 1, 128], strides = [1, 1, 1]} : vector<400x8x128xf32> to vector<400x1x128xf32>
    %squeeze3A_77 = vector.shape_cast %slice3A_76 : vector<400x1x128xf32> to vector<400x128xf32>
    %get3A_78 = arith.constant 1 : index
    %get3A_79 = arith.constant 0 : index
    %get3A_80 = arith.constant 0 : index
    %get3A_81 = vector.load %arg9[%get3A_78, %get3A_79, %get3A_80] : memref<8x128x128xf32, #tpu.memory_space<vmem>>, vector<1x128x128xf32>
    %get3A_82 = vector.shape_cast %get3A_81 : vector<1x128x128xf32> to vector<128x128xf32>
    %dot_general3A_83 = arith.constant dense<0.000000e+00> : vector<400x128xf32>
    %dot_general3A_84 = tpu.matmul %squeeze3A_77, %get3A_82, %dot_general3A_83 {dimension_numbers = #tpu.dot_dimension_numbers<[1], [0], [0], [1], [0, 0, 1, 1], [], []>, transpose_lhs_hint = false} : vector<400x128xf32>, vector<128x128xf32>, vector<400x128xf32> -> vector<400x128xf32>
    %add3A_85 = arith.addf %add3A_67, %dot_general3A_84 : vector<400x128xf32>
    %get3A_86 = arith.constant 1 : index
    %get3A_87 = arith.constant 0 : index
    %get3A_88 = arith.constant 0 : index
    %get3A_89 = vector.load %arg10[%get3A_86, %get3A_87, %get3A_88] : memref<8x128x128xf32, #tpu.memory_space<vmem>>, vector<1x128x128xf32>
    %get3A_90 = vector.shape_cast %get3A_89 : vector<1x128x128xf32> to vector<128x128xf32>
    %dot_general3A_91 = arith.constant dense<0.000000e+00> : vector<400x128xf32>
    %dot_general3A_92 = tpu.matmul %squeeze3A_77, %get3A_90, %dot_general3A_91 {dimension_numbers = #tpu.dot_dimension_numbers<[1], [0], [0], [1], [0, 0, 1, 1], [], []>, transpose_lhs_hint = false} : vector<400x128xf32>, vector<128x128xf32>, vector<400x128xf32> -> vector<400x128xf32>
    %add3A_93 = arith.addf %add3A_75, %dot_general3A_92 : vector<400x128xf32>
    %slice3A_94 = vector.extract_strided_slice %div3A_49 {offsets = [0, 2, 0], sizes = [400, 1, 128], strides = [1, 1, 1]} : vector<400x8x128xf32> to vector<400x1x128xf32>
    %squeeze3A_95 = vector.shape_cast %slice3A_94 : vector<400x1x128xf32> to vector<400x128xf32>
    %get3A_96 = arith.constant 2 : index
    %get3A_97 = arith.constant 0 : index
    %get3A_98 = arith.constant 0 : index
    %get3A_99 = vector.load %arg9[%get3A_96, %get3A_97, %get3A_98] : memref<8x128x128xf32, #tpu.memory_space<vmem>>, vector<1x128x128xf32>
    %get3A_100 = vector.shape_cast %get3A_99 : vector<1x128x128xf32> to vector<128x128xf32>
    %dot_general3A_101 = arith.constant dense<0.000000e+00> : vector<400x128xf32>
    %dot_general3A_102 = tpu.matmul %squeeze3A_95, %get3A_100, %dot_general3A_101 {dimension_numbers = #tpu.dot_dimension_numbers<[1], [0], [0], [1], [0, 0, 1, 1], [], []>, transpose_lhs_hint = false} : vector<400x128xf32>, vector<128x128xf32>, vector<400x128xf32> -> vector<400x128xf32>
    %add3A_103 = arith.addf %add3A_85, %dot_general3A_102 : vector<400x128xf32>
    %get3A_104 = arith.constant 2 : index
    %get3A_105 = arith.constant 0 : index
    %get3A_106 = arith.constant 0 : index
    %get3A_107 = vector.load %arg10[%get3A_104, %get3A_105, %get3A_106] : memref<8x128x128xf32, #tpu.memory_space<vmem>>, vector<1x128x128xf32>
    %get3A_108 = vector.shape_cast %get3A_107 : vector<1x128x128xf32> to vector<128x128xf32>
    %dot_general3A_109 = arith.constant dense<0.000000e+00> : vector<400x128xf32>
    %dot_general3A_110 = tpu.matmul %squeeze3A_95, %get3A_108, %dot_general3A_109 {dimension_numbers = #tpu.dot_dimension_numbers<[1], [0], [0], [1], [0, 0, 1, 1], [], []>, transpose_lhs_hint = false} : vector<400x128xf32>, vector<128x128xf32>, vector<400x128xf32> -> vector<400x128xf32>
    %add3A_111 = arith.addf %add3A_93, %dot_general3A_110 : vector<400x128xf32>
    %slice3A_112 = vector.extract_strided_slice %div3A_49 {offsets = [0, 3, 0], sizes = [400, 1, 128], strides = [1, 1, 1]} : vector<400x8x128xf32> to vector<400x1x128xf32>
    %squeeze3A_113 = vector.shape_cast %slice3A_112 : vector<400x1x128xf32> to vector<400x128xf32>
    %get3A_114 = arith.constant 3 : index
    %get3A_115 = arith.constant 0 : index
    %get3A_116 = arith.constant 0 : index
    %get3A_117 = vector.load %arg9[%get3A_114, %get3A_115, %get3A_116] : memref<8x128x128xf32, #tpu.memory_space<vmem>>, vector<1x128x128xf32>
    %get3A_118 = vector.shape_cast %get3A_117 : vector<1x128x128xf32> to vector<128x128xf32>
    %dot_general3A_119 = arith.constant dense<0.000000e+00> : vector<400x128xf32>
    %dot_general3A_120 = tpu.matmul %squeeze3A_113, %get3A_118, %dot_general3A_119 {dimension_numbers = #tpu.dot_dimension_numbers<[1], [0], [0], [1], [0, 0, 1, 1], [], []>, transpose_lhs_hint = false} : vector<400x128xf32>, vector<128x128xf32>, vector<400x128xf32> -> vector<400x128xf32>
    %add3A_121 = arith.addf %add3A_103, %dot_general3A_120 : vector<400x128xf32>
    %get3A_122 = arith.constant 3 : index
    %get3A_123 = arith.constant 0 : index
    %get3A_124 = arith.constant 0 : index
    %get3A_125 = vector.load %arg10[%get3A_122, %get3A_123, %get3A_124] : memref<8x128x128xf32, #tpu.memory_space<vmem>>, vector<1x128x128xf32>
    %get3A_126 = vector.shape_cast %get3A_125 : vector<1x128x128xf32> to vector<128x128xf32>
    %dot_general3A_127 = arith.constant dense<0.000000e+00> : vector<400x128xf32>
    %dot_general3A_128 = tpu.matmul %squeeze3A_113, %get3A_126, %dot_general3A_127 {dimension_numbers = #tpu.dot_dimension_numbers<[1], [0], [0], [1], [0, 0, 1, 1], [], []>, transpose_lhs_hint = false} : vector<400x128xf32>, vector<128x128xf32>, vector<400x128xf32> -> vector<400x128xf32>
    %add3A_129 = arith.addf %add3A_111, %dot_general3A_128 : vector<400x128xf32>
    %slice3A_130 = vector.extract_strided_slice %div3A_49 {offsets = [0, 4, 0], sizes = [400, 1, 128], strides = [1, 1, 1]} : vector<400x8x128xf32> to vector<400x1x128xf32>
    %squeeze3A_131 = vector.shape_cast %slice3A_130 : vector<400x1x128xf32> to vector<400x128xf32>
    %get3A_132 = arith.constant 4 : index
    %get3A_133 = arith.constant 0 : index
    %get3A_134 = arith.constant 0 : index
    %get3A_135 = vector.load %arg9[%get3A_132, %get3A_133, %get3A_134] : memref<8x128x128xf32, #tpu.memory_space<vmem>>, vector<1x128x128xf32>
    %get3A_136 = vector.shape_cast %get3A_135 : vector<1x128x128xf32> to vector<128x128xf32>
    %dot_general3A_137 = arith.constant dense<0.000000e+00> : vector<400x128xf32>
    %dot_general3A_138 = tpu.matmul %squeeze3A_131, %get3A_136, %dot_general3A_137 {dimension_numbers = #tpu.dot_dimension_numbers<[1], [0], [0], [1], [0, 0, 1, 1], [], []>, transpose_lhs_hint = false} : vector<400x128xf32>, vector<128x128xf32>, vector<400x128xf32> -> vector<400x128xf32>
    %add3A_139 = arith.addf %add3A_121, %dot_general3A_138 : vector<400x128xf32>
    %get3A_140 = arith.constant 4 : index
    %get3A_141 = arith.constant 0 : index
    %get3A_142 = arith.constant 0 : index
    %get3A_143 = vector.load %arg10[%get3A_140, %get3A_141, %get3A_142] : memref<8x128x128xf32, #tpu.memory_space<vmem>>, vector<1x128x128xf32>
    %get3A_144 = vector.shape_cast %get3A_143 : vector<1x128x128xf32> to vector<128x128xf32>
    %dot_general3A_145 = arith.constant dense<0.000000e+00> : vector<400x128xf32>
    %dot_general3A_146 = tpu.matmul %squeeze3A_131, %get3A_144, %dot_general3A_145 {dimension_numbers = #tpu.dot_dimension_numbers<[1], [0], [0], [1], [0, 0, 1, 1], [], []>, transpose_lhs_hint = false} : vector<400x128xf32>, vector<128x128xf32>, vector<400x128xf32> -> vector<400x128xf32>
    %add3A_147 = arith.addf %add3A_129, %dot_general3A_146 : vector<400x128xf32>
    %slice3A_148 = vector.extract_strided_slice %div3A_49 {offsets = [0, 5, 0], sizes = [400, 1, 128], strides = [1, 1, 1]} : vector<400x8x128xf32> to vector<400x1x128xf32>
    %squeeze3A_149 = vector.shape_cast %slice3A_148 : vector<400x1x128xf32> to vector<400x128xf32>
    %get3A_150 = arith.constant 5 : index
    %get3A_151 = arith.constant 0 : index
    %get3A_152 = arith.constant 0 : index
    %get3A_153 = vector.load %arg9[%get3A_150, %get3A_151, %get3A_152] : memref<8x128x128xf32, #tpu.memory_space<vmem>>, vector<1x128x128xf32>
    %get3A_154 = vector.shape_cast %get3A_153 : vector<1x128x128xf32> to vector<128x128xf32>
    %dot_general3A_155 = arith.constant dense<0.000000e+00> : vector<400x128xf32>
    %dot_general3A_156 = tpu.matmul %squeeze3A_149, %get3A_154, %dot_general3A_155 {dimension_numbers = #tpu.dot_dimension_numbers<[1], [0], [0], [1], [0, 0, 1, 1], [], []>, transpose_lhs_hint = false} : vector<400x128xf32>, vector<128x128xf32>, vector<400x128xf32> -> vector<400x128xf32>
    %add3A_157 = arith.addf %add3A_139, %dot_general3A_156 : vector<400x128xf32>
    %get3A_158 = arith.constant 5 : index
    %get3A_159 = arith.constant 0 : index
    %get3A_160 = arith.constant 0 : index
    %get3A_161 = vector.load %arg10[%get3A_158, %get3A_159, %get3A_160] : memref<8x128x128xf32, #tpu.memory_space<vmem>>, vector<1x128x128xf32>
    %get3A_162 = vector.shape_cast %get3A_161 : vector<1x128x128xf32> to vector<128x128xf32>
    %dot_general3A_163 = arith.constant dense<0.000000e+00> : vector<400x128xf32>
    %dot_general3A_164 = tpu.matmul %squeeze3A_149, %get3A_162, %dot_general3A_163 {dimension_numbers = #tpu.dot_dimension_numbers<[1], [0], [0], [1], [0, 0, 1, 1], [], []>, transpose_lhs_hint = false} : vector<400x128xf32>, vector<128x128xf32>, vector<400x128xf32> -> vector<400x128xf32>
    %add3A_165 = arith.addf %add3A_147, %dot_general3A_164 : vector<400x128xf32>
    %slice3A_166 = vector.extract_strided_slice %div3A_49 {offsets = [0, 6, 0], sizes = [400, 1, 128], strides = [1, 1, 1]} : vector<400x8x128xf32> to vector<400x1x128xf32>
    %squeeze3A_167 = vector.shape_cast %slice3A_166 : vector<400x1x128xf32> to vector<400x128xf32>
    %get3A_168 = arith.constant 6 : index
    %get3A_169 = arith.constant 0 : index
    %get3A_170 = arith.constant 0 : index
    %get3A_171 = vector.load %arg9[%get3A_168, %get3A_169, %get3A_170] : memref<8x128x128xf32, #tpu.memory_space<vmem>>, vector<1x128x128xf32>
    %get3A_172 = vector.shape_cast %get3A_171 : vector<1x128x128xf32> to vector<128x128xf32>
    %dot_general3A_173 = arith.constant dense<0.000000e+00> : vector<400x128xf32>
    %dot_general3A_174 = tpu.matmul %squeeze3A_167, %get3A_172, %dot_general3A_173 {dimension_numbers = #tpu.dot_dimension_numbers<[1], [0], [0], [1], [0, 0, 1, 1], [], []>, transpose_lhs_hint = false} : vector<400x128xf32>, vector<128x128xf32>, vector<400x128xf32> -> vector<400x128xf32>
    %add3A_175 = arith.addf %add3A_157, %dot_general3A_174 : vector<400x128xf32>
    %get3A_176 = arith.constant 6 : index
    %get3A_177 = arith.constant 0 : index
    %get3A_178 = arith.constant 0 : index
    %get3A_179 = vector.load %arg10[%get3A_176, %get3A_177, %get3A_178] : memref<8x128x128xf32, #tpu.memory_space<vmem>>, vector<1x128x128xf32>
    %get3A_180 = vector.shape_cast %get3A_179 : vector<1x128x128xf32> to vector<128x128xf32>
    %dot_general3A_181 = arith.constant dense<0.000000e+00> : vector<400x128xf32>
    %dot_general3A_182 = tpu.matmul %squeeze3A_167, %get3A_180, %dot_general3A_181 {dimension_numbers = #tpu.dot_dimension_numbers<[1], [0], [0], [1], [0, 0, 1, 1], [], []>, transpose_lhs_hint = false} : vector<400x128xf32>, vector<128x128xf32>, vector<400x128xf32> -> vector<400x128xf32>
    %add3A_183 = arith.addf %add3A_165, %dot_general3A_182 : vector<400x128xf32>
    %slice3A_184 = vector.extract_strided_slice %div3A_49 {offsets = [0, 7, 0], sizes = [400, 1, 128], strides = [1, 1, 1]} : vector<400x8x128xf32> to vector<400x1x128xf32>
    %squeeze3A_185 = vector.shape_cast %slice3A_184 : vector<400x1x128xf32> to vector<400x128xf32>
    %get3A_186 = arith.constant 7 : index
    %get3A_187 = arith.constant 0 : index
    %get3A_188 = arith.constant 0 : index
    %get3A_189 = vector.load %arg9[%get3A_186, %get3A_187, %get3A_188] : memref<8x128x128xf32, #tpu.memory_space<vmem>>, vector<1x128x128xf32>
    %get3A_190 = vector.shape_cast %get3A_189 : vector<1x128x128xf32> to vector<128x128xf32>
    %dot_general3A_191 = arith.constant dense<0.000000e+00> : vector<400x128xf32>
    %dot_general3A_192 = tpu.matmul %squeeze3A_185, %get3A_190, %dot_general3A_191 {dimension_numbers = #tpu.dot_dimension_numbers<[1], [0], [0], [1], [0, 0, 1, 1], [], []>, transpose_lhs_hint = false} : vector<400x128xf32>, vector<128x128xf32>, vector<400x128xf32> -> vector<400x128xf32>
    %add3A_193 = arith.addf %add3A_175, %dot_general3A_192 : vector<400x128xf32>
    %get3A_194 = arith.constant 7 : index
    %get3A_195 = arith.constant 0 : index
    %get3A_196 = arith.constant 0 : index
    %get3A_197 = vector.load %arg10[%get3A_194, %get3A_195, %get3A_196] : memref<8x128x128xf32, #tpu.memory_space<vmem>>, vector<1x128x128xf32>
    %get3A_198 = vector.shape_cast %get3A_197 : vector<1x128x128xf32> to vector<128x128xf32>
    %dot_general3A_199 = arith.constant dense<0.000000e+00> : vector<400x128xf32>
    %dot_general3A_200 = tpu.matmul %squeeze3A_185, %get3A_198, %dot_general3A_199 {dimension_numbers = #tpu.dot_dimension_numbers<[1], [0], [0], [1], [0, 0, 1, 1], [], []>, transpose_lhs_hint = false} : vector<400x128xf32>, vector<128x128xf32>, vector<400x128xf32> -> vector<400x128xf32>
    %add3A_201 = arith.addf %add3A_183, %dot_general3A_200 : vector<400x128xf32>
    %logistic3A_202 = arith.negf %add3A_193 : vector<400x128xf32>
    %logistic3A_203 = math.exp %logistic3A_202 : vector<400x128xf32>
    %logistic3A_204 = arith.constant 1.000000e+00 : f32
    %logistic3A_205 = vector.broadcast %logistic3A_204 : f32 to vector<400x128xf32>
    %logistic3A_206 = arith.addf %logistic3A_205, %logistic3A_203 : vector<400x128xf32>
    %logistic3A_207 = arith.divf %logistic3A_205, %logistic3A_206 : vector<400x128xf32>
    %add3A_208 = arith.addf %logistic3A_207, %add3A_201 : vector<400x128xf32>
    %mul3A_209 = arith.mulf %add3A_208, %add3A_208 : vector<400x128xf32>
    %reduce_sum3A_210 = arith.constant dense<0.000000e+00> : vector<400xf32>
    %reduce_sum3A_211 = vector.multi_reduction <add>, %mul3A_209, %reduce_sum3A_210 [1] : vector<400x128xf32> to vector<400xf32>
    %broadcast_in_dim3A_212 = vector.shape_cast %reduce_sum3A_211 : vector<400xf32> to vector<400x1xf32>
    %sqrt3A_213 = math.sqrt %broadcast_in_dim3A_212 : vector<400x1xf32>
    %max3A_214 = arith.constant 9.99999996E-13 : f32
    %max3A_215 = vector.broadcast %max3A_214 : f32 to vector<400x1xf32>
    %max3A_216 = arith.maximumf %sqrt3A_213, %max3A_215 : vector<400x1xf32>
    %div3A_217 = vector.broadcast %max3A_216 : vector<400x1xf32> to vector<400x128xf32>
    %div3A_218 = arith.divf %add3A_208, %div3A_217 : vector<400x128xf32>
    %swap3A = arith.constant 0 : index
    %swap3A_219 = arith.constant 0 : index
    %swap3A_220 = vector.load %arg13[%swap3A, %swap3A_219] : memref<400x128xf32, #tpu.memory_space<vmem>>, vector<400x128xf32>
    tpu.vector_store %arg13[%swap3A, %swap3A_219], %div3A_218 {strides = array<i32>} : memref<400x128xf32, #tpu.memory_space<vmem>>, vector<400x128xf32>,
    return
  }
  func.func @transform_0(%arg0: i32) -> (i32, i32) {
    %c0_i32 = arith.constant 0 : i32
    %c0_i32_0 = arith.constant 0 : i32
    return %arg0, %c0_i32 : i32, i32
  }
  func.func @transform_1(%arg0: i32) -> (i32, i32) {
    %c0_i32 = arith.constant 0 : i32
    %c0_i32_0 = arith.constant 0 : i32
    return %arg0, %c0_i32 : i32, i32
  }
  func.func @transform_2(%arg0: i32) -> (i32, i32) {
    %c0_i32 = arith.constant 0 : i32
    %c0_i32_0 = arith.constant 0 : i32
    %c0_i32_1 = arith.constant 0 : i32
    return %c0_i32, %c0_i32_0 : i32, i32
  }
  func.func @transform_3(%arg0: i32) -> (i32, i32) {
    %c0_i32 = arith.constant 0 : i32
    %c0_i32_0 = arith.constant 0 : i32
    %c0_i32_1 = arith.constant 0 : i32
    return %c0_i32, %c0_i32_0 : i32, i32
  }
  func.func @transform_4(%arg0: i32) -> (i32, i32) {
    %c0_i32 = arith.constant 0 : i32
    %c0_i32_0 = arith.constant 0 : i32
    %c0_i32_1 = arith.constant 0 : i32
    return %c0_i32, %c0_i32_0 : i32, i32
  }
  func.func @transform_5(%arg0: i32) -> (i32, i32) {
    %c0_i32 = arith.constant 0 : i32
    %c0_i32_0 = arith.constant 0 : i32
    %c0_i32_1 = arith.constant 0 : i32
    return %c0_i32, %c0_i32_0 : i32, i32
  }
  func.func @transform_6(%arg0: i32) -> (i32, i32) {
    %c0_i32 = arith.constant 0 : i32
    %c0_i32_0 = arith.constant 0 : i32
    %c0_i32_1 = arith.constant 0 : i32
    return %c0_i32, %c0_i32_0 : i32, i32
  }
  func.func @transform_7(%arg0: i32) -> (i32, i32) {
    %c0_i32 = arith.constant 0 : i32
    %c0_i32_0 = arith.constant 0 : i32
    %c0_i32_1 = arith.constant 0 : i32
    return %c0_i32, %c0_i32_0 : i32, i32
  }
  func.func @transform_8(%arg0: i32) -> (i32, i32, i32) {
    %c0_i32 = arith.constant 0 : i32
    %c0_i32_0 = arith.constant 0 : i32
    %c0_i32_1 = arith.constant 0 : i32
    %c0_i32_2 = arith.constant 0 : i32
    return %c0_i32, %c0_i32_0, %c0_i32_1 : i32, i32, i32
  }
  func.func @transform_9(%arg0: i32) -> (i32, i32, i32) {
    %c0_i32 = arith.constant 0 : i32
    %c0_i32_0 = arith.constant 0 : i32
    %c0_i32_1 = arith.constant 0 : i32
    %c0_i32_2 = arith.constant 0 : i32
    return %c0_i32, %c0_i32_0, %c0_i32_1 : i32, i32, i32
  }
  func.func @transform_10(%arg0: i32) -> (i32, i32) {
    %c0_i32 = arith.constant 0 : i32
    %c0_i32_0 = arith.constant 0 : i32
    %c0_i32_1 = arith.constant 0 : i32
    return %c0_i32, %c0_i32_0 : i32, i32
  }
  func.func @transform_11(%arg0: i32) -> (i32, i32) {
    %c0_i32 = arith.constant 0 : i32
    %c0_i32_0 = arith.constant 0 : i32
    %c0_i32_1 = arith.constant 0 : i32
    return %c0_i32, %c0_i32_0 : i32, i32
  }
  func.func @transform_12(%arg0: i32) -> (i32, i32) {
    %c0_i32 = arith.constant 0 : i32
    %c0_i32_0 = arith.constant 0 : i32
    return %arg0, %c0_i32 : i32, i32
  }
}

</mosaic_0001>

<sc_bundles>
// kernel: kernel.5.cloned.1.call-start
scs
__scs_entry_jumppad:
0x0: {  	(pc) =	sbr.rel $0x88, $3  }
0x1: {  	(tag) =	ssettag $0x0;
	lr =	simm.s32 $0x1  }
0x2: {  	[smem:$0x3F95] =	sst lr;
	_ =	strace $0xD0000000  }
0x3: {  	_ = 	snop  }
0x4: {  	_ = 	snop  }
0x5: {  	_ = 	snop  }
0x6: {  	_ = 	snop  }
0x7: {  	_ = 	snop  }
__scs_overlays_trampoline_lowered:
0x8: {  	[smem:$0x3FA4] =	sst s0  }
0x9: {  	[smem:$0x3FA5] =	sst s1  }
0xa: {  	[smem:$0x3FA6] =	sst s2  }
0xb: {  	[smem:$0x3FA7] =	sst s3  }
0xc: {  	[smem:$0x3FA8] =	sst s4  }
0xd: {  	[smem:$0x3FA9] =	sst s5  }
0xe: {  	[smem:$0x3FAA] =	sst s6  }
0xf: {  	[smem:$0x3FAB] =	sst s7  }
0x10: {  	[smem:$0x3FAC] =	sst s8  }
0x11: {  	[smem:$0x3FAD] =	sst s9;
	s0 =	simm.s32 @!p0 $0x0  }
0x12: {  	s1 =	sld [smem:$0x3F93];
	s0 =	simm.s32 @p0 $0x1  }
0x13: {  	[smem:$0x3FAE] =	sst s0;
	s0 =	simm.s32 @!p1 $0x0  }
0x14: {  	s2 =	sld [smem:$0x3F92];
	s0 =	simm.s32 @p1 $0x1  }
0x15: {  	[smem:$0x3FAF] =	sst s0;
	s0 =	simm.s32 @!p2 $0x0  }
0x16: {  	s3 =	sld [smem:$0x3FDB];
	s0 =	simm.s32 @p2 $0x1  }
0x17: {  	s4 =	simm.s32 $0x1BF5;
	[smem:$0x3FB1] =	sst s0  }
0x18: {  	s0 =	sld [smem:$0x3F94];
	_ =	swait.ge [sflag:s4], $0x0  }
0x19: {  	s7 =	sld [smem:$0x3F95]  }
0x1a: {  	s8 =	sadd.s32 $0xFFFFE003, lr  }
0x1b: {  	s9 =	sadd.s32 $0xFFFFFEF7, lr;
	s5 =	simm.s32 $0xFFFFFFFF;
	p2 =	slt.u32 s8, $0xFFFFF086  }
0x1c: {  	p1 =	slt.u32 s9, $0xF7A;
	s5 =	simm.s32 @!p2 $0x0  }
0x1d: {  	s5 =	simm.s32 @p1 $0x1;
	p0 =	seq.s32 s7, s2  }
0x1e: {  	s7 =	smul.u32 @!p0 $0xF7A, s2;
	p2 =	seq.s32 @!p0 s5, $0x0  }
0x1f: {  	s9 =	smul.u32 $0xF7A, s1;
	s8 =	simm.s32 @!p0 $0x1BF5;
	p2 =	por !p2, p0  }
0x20: {  	[sflag:s8] =	ssyncset.s32 @!p0 $0xFFFFF086;
	s6 =	sadd.s32 @!p0 s3, s7;
	s7 =	simm.s32 @!p0 $0x108  }
0x21: {  	s3 =	sadd.s32 s3, s9;
	s6 =	sadd.s32 @!p0 $0x88, s6;
	s7 =	simm.s32 @p2 $0x1082  }
0x22: {  	[simem:s7], [sflag:s8] =	dma.local @!p0 [hbm:s6], $0xF7A  }
0x23: {  	s9 =	sor.u32 $0xD0000000, s2;
	s6 =	simm.s32 $0x108;
	_ =	swait.ge @!p0 [sflag:s8], $0x0  }
0x24: {  	s3 =	sadd.s32 $0x88, s3;
	s6 =	simm.s32 @!p1 $0x1082;
	[sflag:s4] =	ssyncset.s32 $0xFFFFF086  }
0x25: {  	[simem:s6], [sflag:s4] =	dma.local [hbm:s3], $0xF7A  }
0x26: {  	[smem:$0x3F95] =	sst s1;
	(tag) =	ssettag s2;
	_ =	strace s9  }
0x27: {  	s1 =	sld [smem:$0x3FA5]  }
0x28: {  	s2 =	sld [smem:$0x3FA6]  }
0x29: {  	s4 =	sld [smem:$0x3FA8]  }
0x2a: {  	p0 =	seq.s32 s5, $0x0;
	s5 =	sld [smem:$0x3FA9]  }
0x2b: {  	s6 =	sld [smem:$0x3FAA]  }
0x2c: {  	s7 =	sld [smem:$0x3FAB]  }
0x2d: {  	s3 =	simm.s32 $0x108;
	s8 =	sld [smem:$0x3FAC]  }
0x2e: {  	s3 =	simm.s32 @!p0 $0x1082;
	s9 =	sld [smem:$0x3FAD]  }
0x2f: {  	lr =	sadd.s32 s0, s3;
	s0 =	sld [smem:$0x3FA4]  }
0x30: {  	s3 =	sld [smem:$0x3FA7]  }
0x31: {  	[smem:$0x3FB0] =	sst s10  }
0x32: {  	s10 =	sld [smem:$0x3FAE];
	_ =	sdelay $0x3  }
0x33: {  	p0 =	seq.s32 s10, $0x1;
	s10 =	sld [smem:$0x3FB0];
	_ =	sdelay $0x3  }
0x34: {  	[smem:$0x3FB0] =	sst s10  }
0x35: {  	s10 =	sld [smem:$0x3FAF];
	_ =	sdelay $0x3  }
0x36: {  	p1 =	seq.s32 s10, $0x1;
	s10 =	sld [smem:$0x3FB0];
	_ =	sdelay $0x3  }
0x37: {  	[smem:$0x3FB0] =	sst s10  }
0x38: {  	s10 =	sld [smem:$0x3FB1]  }
0x39: {  	_ = 	snop;
	(pc) =	sbr.ind lr, $3  }
0x3a: {  	_ = 	snop  }
0x3b: {  	_ = 	snop  }
0x3c: {  	p2 =	seq.s32 s10, $0x1;
	s10 =	sld [smem:$0x3FB0]  }
0x3d: {  	_ =	shalt  }
0x3e: {  	_ =	shalt  }
0x3f: {  	_ =	shalt  }
0x40: {  	_ =	shalt  }
0x41: {  	_ =	shalt  }
0x42: {  	_ =	shalt  }
0x43: {  	_ =	shalt  }
0x44: {  	_ =	shalt  }
0x45: {  	_ =	shalt  }
0x46: {  	_ =	shalt  }
0x47: {  	_ =	shalt  }
0x48: {  	_ =	shalt  }
0x49: {  	_ =	shalt  }
0x4a: {  	_ =	shalt  }
0x4b: {  	_ =	shalt  }
0x4c: {  	_ =	shalt  }
0x4d: {  	_ =	shalt  }
0x4e: {  	_ =	shalt  }
0x4f: {  	_ =	shalt  }
0x50: {  	_ =	shalt  }
0x51: {  	_ =	shalt  }
0x52: {  	_ =	shalt  }
0x53: {  	_ =	shalt  }
0x54: {  	_ =	shalt  }
0x55: {  	_ =	shalt  }
0x56: {  	_ =	shalt  }
0x57: {  	_ =	shalt  }
0x58: {  	_ =	shalt  }
0x59: {  	_ =	shalt  }
0x5a: {  	_ =	shalt  }
0x5b: {  	_ =	shalt  }
0x5c: {  	_ =	shalt  }
0x5d: {  	_ =	shalt  }
0x5e: {  	_ =	shalt  }
0x5f: {  	_ =	shalt  }
0x60: {  	_ =	shalt  }
0x61: {  	_ =	shalt  }
0x62: {  	_ =	shalt  }
0x63: {  	_ =	shalt  }
0x64: {  	_ =	shalt  }
0x65: {  	_ =	shalt  }
0x66: {  	_ =	shalt  }
0x67: {  	_ =	shalt  }
0x68: {  	_ =	shalt  }
0x69: {  	_ =	shalt  }
0x6a: {  	_ =	shalt  }
0x6b: {  	_ =	shalt  }
0x6c: {  	_ =	shalt  }
0x6d: {  	_ =	shalt  }
0x6e: {  	_ =	shalt  }
0x6f: {  	_ =	shalt  }
0x70: {  	_ =	shalt  }
0x71: {  	_ =	shalt  }
0x72: {  	_ =	shalt  }
0x73: {  	_ =	shalt  }
0x74: {  	_ =	shalt  }
0x75: {  	_ =	shalt  }
0x76: {  	_ =	shalt  }
0x77: {  	_ =	shalt  }
0x78: {  	_ =	shalt  }
0x79: {  	_ =	shalt  }
0x7a: {  	_ =	shalt  }
0x7b: {  	_ =	shalt  }
0x7c: {  	_ =	shalt  }
0x7d: {  	_ =	shalt  }
0x7e: {  	_ =	shalt  }
0x7f: {  	_ =	shalt  }
0x80: {  	_ =	shalt  }
0x81: {  	_ =	shalt  }
0x82: {  	_ =	shalt  }
0x83: {  	_ =	shalt  }
0x84: {  	_ =	shalt  }
0x85: {  	_ =	shalt  }
0x86: {  	_ =	shalt  }
0x87: {  	_ =	shalt  }
.Lfunc_end0:
.L_simem_size_0:
called_computation_lowered:
.L_overlay_start_0:
0x88: {  	s2 =	sld [smem:$0x3FD9]  }
0x89: {  	s3 =	sld [smem:$0x3FFE];
	_ =	sdelay $0x1  }
0x8a: {  	s1 =	srdreg.scid  }
0x8b: {  	s0 =	sand.u32 $0x1, s1  }
0x8c: {  	s17 =	sshll.u32 s0, $0xA;
	s2 =	sadd.s32 s3, s2  }
0x8d: {  	s2 =	sadd.s32 s2, s17  }
0x8e: {  	[smem:$0x3FBC] =	sst s2  }
0x8f: {  	_ = 	snop  }
0x90: {  	s2 =	sld [smem:$0x3FD0];
	(tm) =	ssettm $0x1  }
0x91: {  	s18 =	sld [smem:$0x3FFB];
	_ =	sdelay $0x3  }
0x92: {  	_ =	strace s18  }
0x93: {  	s3 =	sld [smem:$0x3FFC];
	_ =	sdelay $0x3  }
0x94: {  	_ =	strace s3  }
0x95: {  	s3 =	sld [smem:$0x3FFD];
	_ =	sdelay $0x3  }
0x96: {  	_ =	strace s3  }
0x97: {  	_ =	strace $0x8FFFFFFF  }
0x98: {  	s19 =	sld [smem:$0x3FDB];
	_ =	sdelay $0x1  }
0x99: {  	s4 =	simm.s32 $_scs_section_size  }
0x9a: {  	s5 =	simm.s32 $_size__tile_overlayer_lowered;
	s6 =	simm.s32 $_tile_overlayer_lowered  }
0x9b: {  	s22 =	simm.s32 $0x1BFF;
	s21 =	sshll.u32 s6, $0x1;
	s3 =	sadd.s32 s4, s19  }
0x9c: {  	s7 =	simm.s32 $0x0;
	s20 =	sshll.u32 s5, $0x1;
	s5 =	sadd.s32 s21, s3  }
0x9d: {  	[timem:s7], [sflag:s22] =	dma.local [hbm:s5], s20  }
0x9e: {  	_ =	swait.ge [sflag:s22], s20  }
0x9f: {  	s4 =	ssub.s32 $0x0, s20;
	[sflag:s22] =	ssyncset.done $0x0  }
0xa0: {  	[sflag:s22] =	ssyncadd.s32 s4;
	_ =	sdelay $0x1  }
0xa1: {  	s23 =	simm.s32 $0x1B8B  }
0xa2: {  	_ =	swait.ge [sflag:s23], $0x1  }
0xa3: {  	[sflag:s23] =	ssyncset.done $0x0  }
0xa4: {  	s25 =	simm.s32 $0x1B8E;
	s24 =	sld [smem:$0x3FFE];
	[sflag:s23] =	ssyncadd.s32 $0xFFFFFFFF  }
0xa5: {  	s26 =	simm.s32 $execute0_lowered;
	[smem:$0x3FD2] =	sst s25  }
0xa6: {  	s5 =	sshll.u32 s26, $0x1;
	_ =	strace $0x80000046;
	[dreg:$0x1] =	wrdreg $0xFFFFFFFF  }
0xa7: {  	s28 =	simm.s32 $_size_execute0_lowered;
	s3 =	sadd.s32 s3, s5;
	[dreg:$0x0] =	wrdreg $0x0  }
0xa8: {  	s5 =	sshll.u32 s28, $0x1;
	[dreg:$0x2] =	wrdreg s3  }
0xa9: {  	[dreg:$0x3] =	wrdreg s5  }
0xaa: {  	[dreg:$0x4] =	wrdreg $0xC0  }
0xab: {  	_ =	task [dreg:s7], $0x5FFFF  }
0xac: {  	[dreg:$0x1] =	wrdreg $0xFFFFFFFF  }
0xad: {  	[dreg:$0x0] =	wrdreg $0x60  }
0xae: {  	[dreg:$0x2] =	wrdreg s24  }
0xaf: {  	[dreg:$0x3] =	wrdreg s2  }
0xb0: {  	[dreg:$0x4] =	wrdreg $0x9  }
0xb1: {  	_ =	task.clear_ibuf [dreg:s7], $0x5FFFF;
	_ =	strace $0x90000046  }
0xb2: {  	s29 =	simm.s32 $0x9;
	_ =	strace $0x80000048  }
0xb3: {  	_ =	swait.ge [sflag:s29], $0x1  }
0xb4: {  	[sflag:s29] =	ssyncadd.s32 $0xFFFFFFFF  }
0xb5: {  	_ =	strace $0x90000048  }
0xb6: {  	_ =	sfence  }
0xb7: {  	s30 =	sld [smem:$0x0];
	_ =	sdelay $0x2  }
0xb8: {  	s31 =	sshll.u32 s1, $0xD;
	s1 =	sshrl.u32 s1, $0x2  }
0xb9: {  	s3 =	sand.u32 $0x4000, s31;
	s1 =	sadd.s32 s1, s30  }
0xba: {  	s0 =	sor.u32 s3, s0;
	s1 =	sshll.u32 s1, $0x11  }
0xbb: {  	s0 =	sor.u32 s1, s0  }
0xbc: {  	s0 =	sadd.s32 $0x8F2B, s0  }
0xbd: {  	[sflag:s0] =	ssyncadd.remote.s32 $0x1  }
0xbe: {  	_ =	sfence.sel $0xFFFF  }
0xbf: {  	[dreg:$0x0] =	wrdreg $0xFFFFFFFF;
	(pc) =	sbr.abs _section_cstart, $3  }
0xc0: {  	[dreg:$0x1] =	wrdreg $0xFFFFFFFF  }
0xc1: {  	_ =	task.clear_ibuf [dreg:s7], $0x2FFFF;
	_ =	strace $0x9FFFFFFF  }
0xc2: {  	(tm) =	ssettm $0x7FFFFFFF  }
0xc3: {  	_ =	shalt  }
tec
execute0_lowered:
.L_overlay_start_1:
0x0: {  	(tag) =	ssettag $0x1  }
0x1: {  	s3 =	rddreg [dreg:$0x0];
	s1 =	stileid.u32  }
0x2: {  	s0 =	srdreg.scid;
	s6 =	smul.u32 $0x28000, s1  }
0x3: {  	s4 =	rddreg [dreg:$0x1];
	s5 =	sand.u32 $0x1, s0;
	s31 =	smul.u32 $0x50, s1  }
0x4: {  	s0 =	rddreg [dreg:$0x2];
	s8 =	sshll.u32 s1, $0x1;
	s9 =	smul.u32 $0x14000, s5  }
0x5: {  	s2 =	ssub.s32 $0x2, s5;
	s8 =	sor.u32 s5, s8;
	s10 =	smul.u32 $0x28, s5  }
0x6: {  	s7 =	sshrl.u32 s2, $0x1;
	s6 =	sadd.s32 s6, s3;
	s8 =	smul.u32 $0x280, s8  }
0x7: {  	s3 =	sadd.s32 $0x1C00, s3;
	s7 =	ssub.s32 s2, s7;
	s2 =	simm.s32 $0x0  }
0x8: {  	s6 =	sadd.s32 s9, s6;
	s9 =	simm.s32 $0x0;
	[smem:$0x7FF] =	sst s2  }
0x9: {  	s4 =	sadd.s32 s4, s8;
	s5 =	smax.u32 s7, $0x1;
	s6 =	sadd.s32 $0x4FE00, s6  }
0xa: {  	s7 =	sadd.s32 s10, s31;
	s8 =	simm.s32 $0x2;
	_ =	strace $0x80000047  }
.LBB2_1:
0xb: {  	[tilespmem:s2], [sflag:$0x2] =	stream.linear.gather [hbm4b:s4+s2], $0x1400, $0x38;
	[tilespmem:$0x5400] =	vst v63  }
0xc: {  	s10 =	sadd.s32 $0x0, s7  }
0xd: {  	_ =	swait.ge [sflag:s8], $0x1400;
	p1 =	sgt.u32 s10, $0x4E1  }
0xe: {  	[sflag:s8] =	ssyncset.done $0x0;
	p0 =	por p1, p1;
	s10 =	simm.s32 @!p1 $0x80  }
0xf: {  	s12 =	simm.s32 @!p1 $0x1400;
	[sflag:s8] =	ssyncadd.s32 $0xFFFFEC00;
	s13 =	simm.s32 @!p0 $0x1  }
0x10: {  	[tilespmem:s12], [sflag:$0x1] =	stream.indirect.gather @!p0 [hbm4b:s3+s10], $0x80, s2, s10, $0xb8;
	[tilespmem:$0x5400] =	vst v63  }
0x11: {  	s31 =	sadd.s32 $0x1, s7;
	_ =	swait.ge @!p0 [sflag:s13], $0x4000  }
0x12: {  	s11 =	simm.s32 $0x2;
	p1 =	sgt.u32 s31, $0x4E1;
	[sflag:s13] =	ssyncset.done @!p0 $0x0  }
0x13: {  	s10 =	simm.s32 @!p0 $0x0;
	[sflag:s13] =	ssyncadd.s32 @!p0 $0xFFFFC000;
	s13 =	simm.s32 @!p0 $0x2  }
0x14: {  	[hbm4b:s6+s10] =	stream.linear.scatter @!p0 [tilespmem:s12], [sflag:$0x2], $0x4000, $0x38;
	[tilespmem:$0x5400] =	vst v63  }
0x15: {  	s10 =	sadd.s32 $0x800, s6;
	s12 =	simm.s32 $0x80;
	_ =	swait.ge @!p0 [sflag:s13], $0x4000  }
.LBB2_2:
0x16: {  	s14 =	simm.s32 @!p1 $0x80;
	s15 =	simm.s32 @!p1 $0x1400  }
0x17: {  	[sflag:s13] =	ssyncset.done @!p0 $0x0;
	s16 =	smov.u32 s11;
	s17 =	smov.u32 s10  }
0x18: {  	p2 =	por p0, p0;
	p0 =	por p1, p1;
	s11 =	sadd.s32 $0x1, s11  }
0x19: {  	s18 =	simm.s32 @!p0 $0x1;
	[sflag:s13] =	ssyncadd.s32 @!p2 $0xFFFFC000;
	p2 =	sne.s32 s11, $0x28  }
0x1a: {  	[tilespmem:s15], [sflag:$0x1] =	stream.indirect.gather @!p0 [hbm4b:s3+s14], $0x80, s12, s14, $0xb8;
	[tilespmem:$0x5400] =	vst v63  }
.Ltmp0:
0x1b: {  	_ =	swait.ge @!p0 [sflag:s18], $0x4000;
	(pc) =	sbr.rel @p2 .LBB2_2-.Ltmp0, $4  }
0x1c: {  	s10 =	sadd.s32 $0x800, s10;
	s13 =	simm.s32 @!p0 $0x2;
	[sflag:s18] =	ssyncset.done @!p0 $0x0  }
0x1d: {  	s14 =	sadd.s32 s16, s7;
	s16 =	simm.s32 @!p0 $0x0;
	[sflag:s18] =	ssyncadd.s32 @!p0 $0xFFFFC000  }
0x1e: {  	[hbm4b:s17+s16] =	stream.linear.scatter @!p0 [tilespmem:s15], [sflag:$0x2], $0x4000, $0x38;
	[tilespmem:$0x5400] =	vst v63  }
0x1f: {  	s12 =	sadd.s32 $0x80, s12;
	p1 =	sgt.u32 s14, $0x4E1;
	_ =	swait.ge @!p0 [sflag:s13], $0x4000  }
0x20: {  	s11 =	simm.s32 @!p1 $0x80  }
0x21: {  	[sflag:s13] =	ssyncset.done @!p0 $0x0;
	p0 =	por p0, p0;
	p2 =	por p1, p1  }
0x22: {  	s14 =	simm.s32 @!p1 $0x1400;
	s15 =	simm.s32 @!p2 $0x1;
	[sflag:s13] =	ssyncadd.s32 @!p0 $0xFFFFC000  }
0x23: {  	[tilespmem:s14], [sflag:$0x1] =	stream.indirect.gather @!p2 [hbm4b:s3+s11], $0x80, s12, s11, $0xb8;
	[tilespmem:$0x5400] =	vst v63  }
0x24: {  	s9 =	sadd.s32 $0x1, s9;
	_ =	swait.ge @!p2 [sflag:s15], $0x4000  }
0x25: {  	p1 =	sne.s32 s9, s5;
	s11 =	simm.s32 @!p2 $0x2;
	[sflag:s15] =	ssyncset.done @!p2 $0x0  }
.Ltmp1:
0x26: {  	s12 =	simm.s32 @!p2 $0x0;
	[sflag:s15] =	ssyncadd.s32 @!p2 $0xFFFFC000;
	(pc) =	sbr.rel @p1 .LBB2_1-.Ltmp1, $4  }
0x27: {  	[hbm4b:s10+s12] =	stream.linear.scatter @!p2 [tilespmem:s14], [sflag:$0x2], $0x4000, $0x38;
	[tilespmem:$0x5400] =	vst v63  }
0x28: {  	_ =	swait.ge @!p2 [sflag:s11], $0x4000  }
0x29: {  	p0 =	por p2, p2;
	[sflag:s11] =	ssyncset.done @!p2 $0x0  }
0x2a: {  	[sflag:s11] =	ssyncadd.s32 @!p0 $0xFFFFC000  }
0x2b: {  	_ =	sfence.sel $0x180000  }
0x2c: {  	[bflag:$0x0] =	sbarrier.arrive $0xFFFF  }
0x2d: {  	p0 =	sne.s32 s1, $0x0;
	_ =	strace $0x90000047  }
0x2e: {  	s0 =	sadd.s32 @!p0 $0x100000, s0;
	[bflag:$0x2] =	sbarrier.arrive $0xFFFF  }
0x2f: {  	[sflag:s0] =	ssyncadd.tile.s32 @!p0 $0x1;
	_ =	shalt  }
.Lfunc_end2:
_tile_overlayer_lowered:
.L_overlay_start_2:
0x30: {  	(tag) =	ssettag $0x2  }
0x31: {  	s0 =	rddreg [dreg:$0x0];
	s2 =	stileid.u32  }
0x32: {  	s1 =	rddreg [dreg:$0x1];
	p0 =	sne.s32 s2, $0x0  }
0x33: {  	s3 =	rddreg [dreg:$0x2];
	[bflag:$0x3] =	sbarrier.arrive $0xFFFF;
	s2 =	simm.s32 @!p0 $0x1C02  }
0x34: {  	[timem:s3], [sflag:s2] =	dma.local @!p0 [hbm:s0], s1  }
0x35: {  	s0 =	simm.s32 @!p0 $0x2  }
0x36: {  	_ =	swait.ge @!p0 [sflag:s0], s1  }
0x37: {  	s1 =	ssub.s32 @!p0 $0x0, s1;
	[sflag:s0] =	ssyncset.done @!p0 $0x0  }
0x38: {  	[sflag:s0] =	ssyncadd.s32 @!p0 s1  }
0x39: {  	[bflag:$0x3] =	sbarrier.arrive $0xFFFF  }
0x3a: {  	_ =	shalt  }

</sc_bundles>
